<compile_context>
chip_gen: v7x
topology: tpu7x:2x2x1
jax: 0.10.2.dev20260603
libtpu: 0.0.44.dev20260713+nightly
codegen_flags: <defaults>
</compile_context>

<pallas_src>
import functools

import jax
import jax.numpy as jnp
from jax import lax
from jax.experimental import pallas as pl
from jax.experimental.pallas import tpu as pltpu
from jax.experimental.pallas import tpu_sc as plsc

_VOCAB = 1000
_VPAD = 1024
_HIDDEN = 128
_BATCH = 4096
_SEQ = 20
_SEQP = 24

_NC = 2
_NS = 16
_NW = _NC * _NS
_BPW = _BATCH // _NW
_NBUF = 2
_NGRP = _BPW // _NBUF


def _table_body(emb_ref, w_ref, b_ref, out_ref):
    out_ref[...] = lax.dot_general(
        emb_ref[...], w_ref[...],
        (((1,), (1,)), ((), ())),
        preferred_element_type=jnp.float32,
        precision=lax.Precision.HIGHEST,
    ) + b_ref[...]


def _compute_table(emb, w, b):
    return pl.pallas_call(
        _table_body,
        out_shape=jax.ShapeDtypeStruct((_VOCAB, _VPAD), jnp.float32),
    )(emb, w, b.reshape(1, _VPAD))


_mesh = plsc.VectorSubcoreMesh(core_axis_name="c", subcore_axis_name="s")


@functools.partial(
    pl.kernel,
    mesh=_mesh,
    compiler_params=pltpu.CompilerParams(disable_bounds_checks=True),
    out_type=jax.ShapeDtypeStruct((_BATCH, _SEQ, _VOCAB), jnp.float32),
    scratch_types=[
        pltpu.VMEM((_BPW * _SEQP,), jnp.int32),
        pltpu.VMEM((_NBUF, _SEQP, _VPAD), jnp.float32),
        pltpu.SemaphoreType.DMA((_NBUF,)),
        pltpu.SemaphoreType.DMA((_NBUF,)),
    ],
)
def _gather(table_hbm, idx_hbm, out_hbm, idx_v, buf, gsem, wsem):
    wid = lax.axis_index("s") * _NC + lax.axis_index("c")
    base = wid * _BPW
    pltpu.sync_copy(idx_hbm.at[pl.ds(base * _SEQP, _BPW * _SEQP)], idx_v)

    def _gather_start(c, p):
        off = pl.multiple_of(c * _SEQP, 8)
        pltpu.async_copy(
            table_hbm.at[idx_v.at[pl.ds(off, _SEQP)]], buf.at[p], gsem.at[p]
        )

    def _gather_wait(p):
        pltpu.make_async_copy(
            table_hbm.at[idx_v.at[pl.ds(0, _SEQP)]], buf.at[p], gsem.at[p]
        ).wait()

    def _write_start(c, p):
        pltpu.async_copy(
            buf.at[p],
            out_hbm.at[base + c, pl.ds(0, _SEQP), pl.ds(0, _VPAD)],
            wsem.at[p],
        )

    def _write_wait(p):
        pltpu.make_async_copy(
            buf.at[p],
            out_hbm.at[base, pl.ds(0, _SEQP), pl.ds(0, _VPAD)],
            wsem.at[p],
        ).wait()

    def body(g, carry):
        for p in range(_NBUF):
            c = _NBUF * g + p
            _write_start(c, p)

            @pl.when(c >= 1)
            def _():
                _write_wait((p + 1) % _NBUF)

        return carry

    lax.fori_loop(0, _NGRP, body, 0)
    _write_wait((_BPW - 1) % _NBUF)


def kernel(input_ids, embed_table, head_w, head_b):
    w_pad = jnp.pad(head_w, ((0, _VPAD - _VOCAB), (0, 0)))
    b_pad = jnp.pad(head_b, (0, _VPAD - _VOCAB))
    table = _compute_table(embed_table, w_pad, b_pad)
    idx = jnp.pad(input_ids.astype(jnp.int32), ((0, 0), (0, _SEQP - _SEQ)))
    out = _gather(table, idx.reshape(-1))
    return out

# --- scband reference (transcript-rebuilt; emitter-appended) ---
"""Pipeline reference for scband-tiny-model-87952340288201 (READ-ONLY COPY).

The authoritative reference and input builder live on the scoring server;
editing this copy changes nothing except your own understanding.
"""

import jax, jax.numpy as jnp
import numpy as np

VOCAB = 1000
HIDDEN = 128
BATCH = 4096
SEQ = 20

def setup_inputs(seed: int = 0) -> dict:
    key = jax.random.key(seed)
    k1, k2, k3, k4 = jax.random.split(key, 4)
    input_ids = jax.random.randint(k1, (BATCH, SEQ), 0, VOCAB, dtype=jnp.int64 if jax.config.jax_enable_x64 else jnp.int32)
    embed_table = jax.random.normal(k2, (VOCAB, HIDDEN), dtype=jnp.float32)
    # nn.Linear(hidden, vocab): weight [vocab, hidden], bias [vocab]
    head_w = jax.random.normal(k3, (VOCAB, HIDDEN), dtype=jnp.float32) * (1.0 / np.sqrt(HIDDEN))
    head_b = jax.random.normal(k4, (VOCAB,), dtype=jnp.float32) * 0.01
    return {"input_ids": input_ids, "embed_table": embed_table, "head_w": head_w, "head_b": head_b}

def reference(input_ids, embed_table, head_w, head_b):
    # h = self.embed(input_ids)
    h = jnp.take(embed_table, input_ids, axis=0)  # [B, S, HIDDEN]
    # logits = self.head(h) : h @ W^T + b
    logits = jnp.einsum('bsh,vh->bsv', h, head_w) + head_b  # [B, S, VOCAB]
    return logits

if __name__ == "__main__":
    import jax
    _d = setup_inputs()
    print(jax.jit(kernel)(*tuple(_d.values())))

</pallas_src>

<mosaic_0001>
#map = affine_map<(d0, d1) -> (0, 0)>
#map1 = affine_map<(d0, d1) -> (0)>
#map2 = affine_map<(d0, d1) -> (0, 0, 0)>
module attributes {stable_mosaic.version = 14 : i64} {
  func.func @_gather(%arg0: i32, %arg1: i32, %arg2: memref<1000x1024xf32, #tpu.memory_space<hbm>>, %arg3: memref<98304xi32, #tpu.memory_space<hbm>>, %arg4: memref<4096x20x1000xf32, #tpu.memory_space<hbm>>, %arg5: memref<3072xi32, #tpu.memory_space<vmem>>, %arg6: memref<2x24x1024xf32, #tpu.memory_space<vmem>>, %arg7: memref<2x!tpu.dma_semaphore, #tpu.memory_space<semaphore_mem>>, %arg8: memref<2x!tpu.dma_semaphore, #tpu.memory_space<semaphore_mem>>) attributes {dimension_semantics = [#tpu.dimension_semantics<core_parallel>, #tpu.dimension_semantics<subcore_parallel>], iteration_bounds = array<i64: 2, 16>, scalar_prefetch = 0 : i64, scratch_operands = 4 : i64, tpu.core_type = #tpu.core_type<sc_vector_subcore>, window_params = [{transform_indices = #map}, {transform_indices = #map1}, {transform_indices = #map2}]} {
    %mul3A = arith.constant 2 : i32
    %mul3A_0 = arith.muli %arg1, %mul3A : i32
    %add3A = arith.addi %mul3A_0, %arg0 : i32
    %mul3A_1 = arith.constant 128 : i32
    %mul3A_2 = arith.muli %add3A, %mul3A_1 : i32
    %mul3A_3 = arith.constant 24 : i32
    %mul3A_4 = arith.muli %mul3A_2, %mul3A_3 : i32
    "tpu.region"() ({
      %run_scoped3A = tpu.sem_alloc : memref<!tpu.dma_semaphore, #tpu.memory_space<semaphore_mem>>
      %dma_start3A = tpu.memref_slice %arg3[%mul3A_4] : memref<98304xi32, #tpu.memory_space<hbm>> -> memref<3072xi32, #tpu.memory_space<hbm>>
      %dma_start3A_29 = tpu.memref_slice %arg3[%mul3A_4] : memref<98304xi32, #tpu.memory_space<hbm>> -> memref<3072xi32, #tpu.memory_space<hbm>>
      tpu.enqueue_dma source(%dma_start3A_29 : memref<3072xi32, #tpu.memory_space<hbm>>) target(%arg5 : memref<3072xi32, #tpu.memory_space<vmem>>) target_semaphore(%run_scoped3A : memref<!tpu.dma_semaphore, #tpu.memory_space<semaphore_mem>>)
      %dma_wait3A_30 = tpu.memref_slice %arg3[%mul3A_4] : memref<98304xi32, #tpu.memory_space<hbm>> -> memref<3072xi32, #tpu.memory_space<hbm>>
      %dma_wait3A_31 = tpu.memref_slice %arg3[%mul3A_4] : memref<98304xi32, #tpu.memory_space<hbm>> -> memref<3072xi32, #tpu.memory_space<hbm>>
      tpu.wait_dma2 semaphore(%run_scoped3A : memref<!tpu.dma_semaphore, #tpu.memory_space<semaphore_mem>>) src(%dma_wait3A_31 : memref<3072xi32, #tpu.memory_space<hbm>>) dst(%arg5 : memref<3072xi32, #tpu.memory_space<vmem>>)
      tpu.yield
    }) : () -> ()
    %scan3A = arith.constant 0 : i32
    %scan3A_5 = arith.constant 0 : i32
    %scan3A_6 = arith.constant 64 : i32
    %scan3A_7 = arith.addi %scan3A_5, %scan3A_6 : i32
    %scan3A_8 = arith.constant 1 : i32
    scf.for %scan3A_29 = %scan3A_5 to %scan3A_7 step %scan3A_8  : i32 {
      %mul3A_30 = arith.constant 2 : i32
      %mul3A_31 = arith.muli %mul3A_30, %scan3A_29 : i32
      %add3A_32 = arith.constant 0 : i32
      %add3A_33 = arith.addi %mul3A_31, %add3A_32 : i32
      %add3A_34 = arith.addi %mul3A_2, %add3A_33 : i32
      %dma_start3A = arith.constant 0 : i32
      %dma_start3A_35 = arith.constant 0 : i32
      %dma_start3A_36 = arith.constant 0 : i32
      %dma_start3A_37 = arith.constant 0 : i32
      %dma_start3A_38 = tpu.memref_slice %arg6[%dma_start3A, %dma_start3A_36, %dma_start3A_37] : memref<2x24x1024xf32, #tpu.memory_space<vmem>> -> memref<1x24x1024xf32, #tpu.memory_space<vmem>>
      %dma_start3A_39 = tpu.memref_squeeze %dma_start3A_38 : memref<1x24x1024xf32, #tpu.memory_space<vmem>> -> memref<24x1024xf32, #tpu.memory_space<vmem>>
      %dma_start3A_40 = arith.constant 0 : i32
      %dma_start3A_41 = arith.constant 0 : i32
      %dma_start3A_42 = tpu.memref_slice %arg4[%add3A_34, %dma_start3A_40, %dma_start3A_41] : memref<4096x20x1000xf32, #tpu.memory_space<hbm>> -> memref<1x24x1024xf32, #tpu.memory_space<hbm>>
      %dma_start3A_43 = tpu.memref_squeeze %dma_start3A_42 : memref<1x24x1024xf32, #tpu.memory_space<hbm>> -> memref<24x1024xf32, #tpu.memory_space<hbm>>
      %dma_start3A_44 = tpu.memref_slice %arg8[%dma_start3A_35] : memref<2x!tpu.dma_semaphore, #tpu.memory_space<semaphore_mem>> -> memref<1x!tpu.dma_semaphore, #tpu.memory_space<semaphore_mem>>
      %dma_start3A_45 = tpu.memref_squeeze %dma_start3A_44 : memref<1x!tpu.dma_semaphore, #tpu.memory_space<semaphore_mem>> -> memref<!tpu.dma_semaphore, #tpu.memory_space<semaphore_mem>>
      %dma_start3A_46 = arith.constant 0 : i32
      %dma_start3A_47 = arith.constant 0 : i32
      %dma_start3A_48 = tpu.memref_slice %arg4[%add3A_34, %dma_start3A_46, %dma_start3A_47] : memref<4096x20x1000xf32, #tpu.memory_space<hbm>> -> memref<1x24x1024xf32, #tpu.memory_space<hbm>>
      %dma_start3A_49 = tpu.memref_squeeze %dma_start3A_48 : memref<1x24x1024xf32, #tpu.memory_space<hbm>> -> memref<24x1024xf32, #tpu.memory_space<hbm>>
      %dma_start3A_50 = arith.constant 0 : i32
      %dma_start3A_51 = arith.constant 0 : i32
      %dma_start3A_52 = tpu.memref_slice %arg6[%dma_start3A, %dma_start3A_50, %dma_start3A_51] : memref<2x24x1024xf32, #tpu.memory_space<vmem>> -> memref<1x24x1024xf32, #tpu.memory_space<vmem>>
      %dma_start3A_53 = tpu.memref_squeeze %dma_start3A_52 : memref<1x24x1024xf32, #tpu.memory_space<vmem>> -> memref<24x1024xf32, #tpu.memory_space<vmem>>
      tpu.enqueue_dma source(%dma_start3A_53 : memref<24x1024xf32, #tpu.memory_space<vmem>>) target(%dma_start3A_49 : memref<24x1024xf32, #tpu.memory_space<hbm>>) target_semaphore(%dma_start3A_45 : memref<!tpu.dma_semaphore, #tpu.memory_space<semaphore_mem>>)
      %ge3A = arith.constant 1 : i32
      %ge3A_54 = arith.cmpi sge, %add3A_33, %ge3A : i32
      %convert_element_type3A = arith.extui %ge3A_54 : i1 to i32
      %cond3A = arith.constant 0 : i32
      %cond3A_55 = arith.cmpi ne, %convert_element_type3A, %cond3A : i32
      scf.if %cond3A_55 {
        %dma_wait3A_86 = arith.constant 1 : i32
        %dma_wait3A_87 = arith.constant 1 : i32
        %dma_wait3A_88 = arith.constant 0 : i32
        %dma_wait3A_89 = arith.constant 0 : i32
        %dma_wait3A_90 = tpu.memref_slice %arg6[%dma_wait3A_86, %dma_wait3A_88, %dma_wait3A_89] : memref<2x24x1024xf32, #tpu.memory_space<vmem>> -> memref<1x24x1024xf32, #tpu.memory_space<vmem>>
        %dma_wait3A_91 = tpu.memref_squeeze %dma_wait3A_90 : memref<1x24x1024xf32, #tpu.memory_space<vmem>> -> memref<24x1024xf32, #tpu.memory_space<vmem>>
        %dma_wait3A_92 = arith.constant 0 : i32
        %dma_wait3A_93 = arith.constant 0 : i32
        %dma_wait3A_94 = tpu.memref_slice %arg4[%mul3A_2, %dma_wait3A_92, %dma_wait3A_93] : memref<4096x20x1000xf32, #tpu.memory_space<hbm>> -> memref<1x24x1024xf32, #tpu.memory_space<hbm>>
        %dma_wait3A_95 = tpu.memref_squeeze %dma_wait3A_94 : memref<1x24x1024xf32, #tpu.memory_space<hbm>> -> memref<24x1024xf32, #tpu.memory_space<hbm>>
        %dma_wait3A_96 = tpu.memref_slice %arg8[%dma_wait3A_87] : memref<2x!tpu.dma_semaphore, #tpu.memory_space<semaphore_mem>> -> memref<1x!tpu.dma_semaphore, #tpu.memory_space<semaphore_mem>>
        %dma_wait3A_97 = tpu.memref_squeeze %dma_wait3A_96 : memref<1x!tpu.dma_semaphore, #tpu.memory_space<semaphore_mem>> -> memref<!tpu.dma_semaphore, #tpu.memory_space<semaphore_mem>>
        %dma_wait3A_98 = arith.constant 0 : i32
        %dma_wait3A_99 = arith.constant 0 : i32
        %dma_wait3A_100 = tpu.memref_slice %arg4[%mul3A_2, %dma_wait3A_98, %dma_wait3A_99] : memref<4096x20x1000xf32, #tpu.memory_space<hbm>> -> memref<1x24x1024xf32, #tpu.memory_space<hbm>>
        %dma_wait3A_101 = tpu.memref_squeeze %dma_wait3A_100 : memref<1x24x1024xf32, #tpu.memory_space<hbm>> -> memref<24x1024xf32, #tpu.memory_space<hbm>>
        %dma_wait3A_102 = arith.constant 0 : i32
        %dma_wait3A_103 = arith.constant 0 : i32
        %dma_wait3A_104 = tpu.memref_slice %arg6[%dma_wait3A_86, %dma_wait3A_102, %dma_wait3A_103] : memref<2x24x1024xf32, #tpu.memory_space<vmem>> -> memref<1x24x1024xf32, #tpu.memory_space<vmem>>
        %dma_wait3A_105 = tpu.memref_squeeze %dma_wait3A_104 : memref<1x24x1024xf32, #tpu.memory_space<vmem>> -> memref<24x1024xf32, #tpu.memory_space<vmem>>
        tpu.wait_dma2 semaphore(%dma_wait3A_97 : memref<!tpu.dma_semaphore, #tpu.memory_space<semaphore_mem>>) src(%dma_wait3A_105 : memref<24x1024xf32, #tpu.memory_space<vmem>>) dst(%dma_wait3A_101 : memref<24x1024xf32, #tpu.memory_space<hbm>>)
      } else {
      }
      %mul3A_56 = arith.constant 2 : i32
      %mul3A_57 = arith.muli %mul3A_56, %scan3A_29 : i32
      %add3A_58 = arith.constant 1 : i32
      %add3A_59 = arith.addi %mul3A_57, %add3A_58 : i32
      %add3A_60 = arith.addi %mul3A_2, %add3A_59 : i32
      %dma_start3A_61 = arith.constant 1 : i32
      %dma_start3A_62 = arith.constant 1 : i32
      %dma_start3A_63 = arith.constant 0 : i32
      %dma_start3A_64 = arith.constant 0 : i32
      %dma_start3A_65 = tpu.memref_slice %arg6[%dma_start3A_61, %dma_start3A_63, %dma_start3A_64] : memref<2x24x1024xf32, #tpu.memory_space<vmem>> -> memref<1x24x1024xf32, #tpu.memory_space<vmem>>
      %dma_start3A_66 = tpu.memref_squeeze %dma_start3A_65 : memref<1x24x1024xf32, #tpu.memory_space<vmem>> -> memref<24x1024xf32, #tpu.memory_space<vmem>>
      %dma_start3A_67 = arith.constant 0 : i32
      %dma_start3A_68 = arith.constant 0 : i32
      %dma_start3A_69 = tpu.memref_slice %arg4[%add3A_60, %dma_start3A_67, %dma_start3A_68] : memref<4096x20x1000xf32, #tpu.memory_space<hbm>> -> memref<1x24x1024xf32, #tpu.memory_space<hbm>>
      %dma_start3A_70 = tpu.memref_squeeze %dma_start3A_69 : memref<1x24x1024xf32, #tpu.memory_space<hbm>> -> memref<24x1024xf32, #tpu.memory_space<hbm>>
      %dma_start3A_71 = tpu.memref_slice %arg8[%dma_start3A_62] : memref<2x!tpu.dma_semaphore, #tpu.memory_space<semaphore_mem>> -> memref<1x!tpu.dma_semaphore, #tpu.memory_space<semaphore_mem>>
      %dma_start3A_72 = tpu.memref_squeeze %dma_start3A_71 : memref<1x!tpu.dma_semaphore, #tpu.memory_space<semaphore_mem>> -> memref<!tpu.dma_semaphore, #tpu.memory_space<semaphore_mem>>
      %dma_start3A_73 = arith.constant 0 : i32
      %dma_start3A_74 = arith.constant 0 : i32
      %dma_start3A_75 = tpu.memref_slice %arg4[%add3A_60, %dma_start3A_73, %dma_start3A_74] : memref<4096x20x1000xf32, #tpu.memory_space<hbm>> -> memref<1x24x1024xf32, #tpu.memory_space<hbm>>
      %dma_start3A_76 = tpu.memref_squeeze %dma_start3A_75 : memref<1x24x1024xf32, #tpu.memory_space<hbm>> -> memref<24x1024xf32, #tpu.memory_space<hbm>>
      %dma_start3A_77 = arith.constant 0 : i32
      %dma_start3A_78 = arith.constant 0 : i32
      %dma_start3A_79 = tpu.memref_slice %arg6[%dma_start3A_61, %dma_start3A_77, %dma_start3A_78] : memref<2x24x1024xf32, #tpu.memory_space<vmem>> -> memref<1x24x1024xf32, #tpu.memory_space<vmem>>
      %dma_start3A_80 = tpu.memref_squeeze %dma_start3A_79 : memref<1x24x1024xf32, #tpu.memory_space<vmem>> -> memref<24x1024xf32, #tpu.memory_space<vmem>>
      tpu.enqueue_dma source(%dma_start3A_80 : memref<24x1024xf32, #tpu.memory_space<vmem>>) target(%dma_start3A_76 : memref<24x1024xf32, #tpu.memory_space<hbm>>) target_semaphore(%dma_start3A_72 : memref<!tpu.dma_semaphore, #tpu.memory_space<semaphore_mem>>)
      %ge3A_81 = arith.constant 1 : i32
      %ge3A_82 = arith.cmpi sge, %add3A_59, %ge3A_81 : i32
      %convert_element_type3A_83 = arith.extui %ge3A_82 : i1 to i32
      %cond3A_84 = arith.constant 0 : i32
      %cond3A_85 = arith.cmpi ne, %convert_element_type3A_83, %cond3A_84 : i32
      scf.if %cond3A_85 {
        %dma_wait3A_86 = arith.constant 0 : i32
        %dma_wait3A_87 = arith.constant 0 : i32
        %dma_wait3A_88 = arith.constant 0 : i32
        %dma_wait3A_89 = arith.constant 0 : i32
        %dma_wait3A_90 = tpu.memref_slice %arg6[%dma_wait3A_86, %dma_wait3A_88, %dma_wait3A_89] : memref<2x24x1024xf32, #tpu.memory_space<vmem>> -> memref<1x24x1024xf32, #tpu.memory_space<vmem>>
        %dma_wait3A_91 = tpu.memref_squeeze %dma_wait3A_90 : memref<1x24x1024xf32, #tpu.memory_space<vmem>> -> memref<24x1024xf32, #tpu.memory_space<vmem>>
        %dma_wait3A_92 = arith.constant 0 : i32
        %dma_wait3A_93 = arith.constant 0 : i32
        %dma_wait3A_94 = tpu.memref_slice %arg4[%mul3A_2, %dma_wait3A_92, %dma_wait3A_93] : memref<4096x20x1000xf32, #tpu.memory_space<hbm>> -> memref<1x24x1024xf32, #tpu.memory_space<hbm>>
        %dma_wait3A_95 = tpu.memref_squeeze %dma_wait3A_94 : memref<1x24x1024xf32, #tpu.memory_space<hbm>> -> memref<24x1024xf32, #tpu.memory_space<hbm>>
        %dma_wait3A_96 = tpu.memref_slice %arg8[%dma_wait3A_87] : memref<2x!tpu.dma_semaphore, #tpu.memory_space<semaphore_mem>> -> memref<1x!tpu.dma_semaphore, #tpu.memory_space<semaphore_mem>>
        %dma_wait3A_97 = tpu.memref_squeeze %dma_wait3A_96 : memref<1x!tpu.dma_semaphore, #tpu.memory_space<semaphore_mem>> -> memref<!tpu.dma_semaphore, #tpu.memory_space<semaphore_mem>>
        %dma_wait3A_98 = arith.constant 0 : i32
        %dma_wait3A_99 = arith.constant 0 : i32
        %dma_wait3A_100 = tpu.memref_slice %arg4[%mul3A_2, %dma_wait3A_98, %dma_wait3A_99] : memref<4096x20x1000xf32, #tpu.memory_space<hbm>> -> memref<1x24x1024xf32, #tpu.memory_space<hbm>>
        %dma_wait3A_101 = tpu.memref_squeeze %dma_wait3A_100 : memref<1x24x1024xf32, #tpu.memory_space<hbm>> -> memref<24x1024xf32, #tpu.memory_space<hbm>>
        %dma_wait3A_102 = arith.constant 0 : i32
        %dma_wait3A_103 = arith.constant 0 : i32
        %dma_wait3A_104 = tpu.memref_slice %arg6[%dma_wait3A_86, %dma_wait3A_102, %dma_wait3A_103] : memref<2x24x1024xf32, #tpu.memory_space<vmem>> -> memref<1x24x1024xf32, #tpu.memory_space<vmem>>
        %dma_wait3A_105 = tpu.memref_squeeze %dma_wait3A_104 : memref<1x24x1024xf32, #tpu.memory_space<vmem>> -> memref<24x1024xf32, #tpu.memory_space<vmem>>
        tpu.wait_dma2 semaphore(%dma_wait3A_97 : memref<!tpu.dma_semaphore, #tpu.memory_space<semaphore_mem>>) src(%dma_wait3A_105 : memref<24x1024xf32, #tpu.memory_space<vmem>>) dst(%dma_wait3A_101 : memref<24x1024xf32, #tpu.memory_space<hbm>>)
      } else {
      }
    }
    %scan3A_9 = arith.constant 64 : i32
    %dma_wait3A = arith.constant 1 : i32
    %dma_wait3A_10 = arith.constant 1 : i32
    %dma_wait3A_11 = arith.constant 0 : i32
    %dma_wait3A_12 = arith.constant 0 : i32
    %dma_wait3A_13 = tpu.memref_slice %arg6[%dma_wait3A, %dma_wait3A_11, %dma_wait3A_12] : memref<2x24x1024xf32, #tpu.memory_space<vmem>> -> memref<1x24x1024xf32, #tpu.memory_space<vmem>>
    %dma_wait3A_14 = tpu.memref_squeeze %dma_wait3A_13 : memref<1x24x1024xf32, #tpu.memory_space<vmem>> -> memref<24x1024xf32, #tpu.memory_space<vmem>>
    %dma_wait3A_15 = arith.constant 0 : i32
    %dma_wait3A_16 = arith.constant 0 : i32
    %dma_wait3A_17 = tpu.memref_slice %arg4[%mul3A_2, %dma_wait3A_15, %dma_wait3A_16] : memref<4096x20x1000xf32, #tpu.memory_space<hbm>> -> memref<1x24x1024xf32, #tpu.memory_space<hbm>>
    %dma_wait3A_18 = tpu.memref_squeeze %dma_wait3A_17 : memref<1x24x1024xf32, #tpu.memory_space<hbm>> -> memref<24x1024xf32, #tpu.memory_space<hbm>>
    %dma_wait3A_19 = tpu.memref_slice %arg8[%dma_wait3A_10] : memref<2x!tpu.dma_semaphore, #tpu.memory_space<semaphore_mem>> -> memref<1x!tpu.dma_semaphore, #tpu.memory_space<semaphore_mem>>
    %dma_wait3A_20 = tpu.memref_squeeze %dma_wait3A_19 : memref<1x!tpu.dma_semaphore, #tpu.memory_space<semaphore_mem>> -> memref<!tpu.dma_semaphore, #tpu.memory_space<semaphore_mem>>
    %dma_wait3A_21 = arith.constant 0 : i32
    %dma_wait3A_22 = arith.constant 0 : i32
    %dma_wait3A_23 = tpu.memref_slice %arg4[%mul3A_2, %dma_wait3A_21, %dma_wait3A_22] : memref<4096x20x1000xf32, #tpu.memory_space<hbm>> -> memref<1x24x1024xf32, #tpu.memory_space<hbm>>
    %dma_wait3A_24 = tpu.memref_squeeze %dma_wait3A_23 : memref<1x24x1024xf32, #tpu.memory_space<hbm>> -> memref<24x1024xf32, #tpu.memory_space<hbm>>
    %dma_wait3A_25 = arith.constant 0 : i32
    %dma_wait3A_26 = arith.constant 0 : i32
    %dma_wait3A_27 = tpu.memref_slice %arg6[%dma_wait3A, %dma_wait3A_25, %dma_wait3A_26] : memref<2x24x1024xf32, #tpu.memory_space<vmem>> -> memref<1x24x1024xf32, #tpu.memory_space<vmem>>
    %dma_wait3A_28 = tpu.memref_squeeze %dma_wait3A_27 : memref<1x24x1024xf32, #tpu.memory_space<vmem>> -> memref<24x1024xf32, #tpu.memory_space<vmem>>
    tpu.wait_dma2 semaphore(%dma_wait3A_20 : memref<!tpu.dma_semaphore, #tpu.memory_space<semaphore_mem>>) src(%dma_wait3A_28 : memref<24x1024xf32, #tpu.memory_space<vmem>>) dst(%dma_wait3A_24 : memref<24x1024xf32, #tpu.memory_space<hbm>>)
    return
  }
}

module attributes {stable_mosaic.version = 14 : i64} {
  func.func @_table_body(%arg0: memref<1000x128xf32, #tpu.memory_space<vmem>>, %arg1: memref<1024x128xf32, #tpu.memory_space<vmem>>, %arg2: memref<1x1024xf32, #tpu.memory_space<vmem>>, %arg3: memref<1000x1024xf32, #tpu.memory_space<vmem>>) attributes {dimension_semantics = [], scalar_prefetch = 0 : i64, scratch_operands = 0 : i64, tpu.core_type = #tpu.core_type<tc>} {
    %get3A = arith.constant 0 : index
    %get3A_0 = arith.constant 0 : index
    %get3A_1 = vector.load %arg0[%get3A, %get3A_0] : memref<1000x128xf32, #tpu.memory_space<vmem>>, vector<1000x128xf32>
    %get3A_2 = arith.constant 0 : index
    %get3A_3 = arith.constant 0 : index
    %get3A_4 = vector.load %arg1[%get3A_2, %get3A_3] : memref<1024x128xf32, #tpu.memory_space<vmem>>, vector<1024x128xf32>
    %dot_general3A = arith.constant dense<0.000000e+00> : vector<1000x1024xf32>
    %dot_general3A_5 = tpu.matmul %get3A_1, %get3A_4, %dot_general3A {dimension_numbers = #tpu.dot_dimension_numbers<[1], [1], [0], [0], [0, 0, 1, 0], [], []>, precision = #tpu.contract_precision<fp32>, transpose_lhs_hint = false} : vector<1000x128xf32>, vector<1024x128xf32>, vector<1000x1024xf32> -> vector<1000x1024xf32>
    %get3A_6 = arith.constant 0 : index
    %get3A_7 = arith.constant 0 : index
    %get3A_8 = vector.load %arg2[%get3A_6, %get3A_7] : memref<1x1024xf32, #tpu.memory_space<vmem>>, vector<1x1024xf32>
    %add3A = vector.broadcast %get3A_8 : vector<1x1024xf32> to vector<1000x1024xf32>
    %add3A_9 = arith.addf %dot_general3A_5, %add3A : vector<1000x1024xf32>
    %swap3A = arith.constant 0 : index
    %swap3A_10 = arith.constant 0 : index
    %swap3A_11 = vector.load %arg3[%swap3A, %swap3A_10] : memref<1000x1024xf32, #tpu.memory_space<vmem>>, vector<1000x1024xf32>
    tpu.vector_store %arg3[%swap3A, %swap3A_10], %add3A_9 {strides = array<i32>} : memref<1000x1024xf32, #tpu.memory_space<vmem>>, vector<1000x1024xf32>,
    return
  }
}

</mosaic_0001>

<sc_bundles>
// kernel: kernel.4.cloned.1.call-start
scs
__scs_entry_jumppad:
0x0: {  	(pc) =	sbr.rel $0x88, $3  }
0x1: {  	(tag) =	ssettag $0x0;
	lr =	simm.s32 $0x1  }
0x2: {  	[smem:$0x3F9D] =	sst lr;
	_ =	strace $0xD0000000  }
0x3: {  	_ = 	snop  }
0x4: {  	_ = 	snop  }
0x5: {  	_ = 	snop  }
0x6: {  	_ = 	snop  }
0x7: {  	_ = 	snop  }
__scs_overlays_trampoline_lowered:
0x8: {  	[smem:$0x3FAC] =	sst s0  }
0x9: {  	[smem:$0x3FAD] =	sst s1  }
0xa: {  	[smem:$0x3FAE] =	sst s2  }
0xb: {  	[smem:$0x3FAF] =	sst s3  }
0xc: {  	[smem:$0x3FB0] =	sst s4  }
0xd: {  	[smem:$0x3FB1] =	sst s5  }
0xe: {  	[smem:$0x3FB2] =	sst s6  }
0xf: {  	[smem:$0x3FB3] =	sst s7  }
0x10: {  	[smem:$0x3FB4] =	sst s8  }
0x11: {  	[smem:$0x3FB5] =	sst s9;
	s0 =	simm.s32 @!p0 $0x0  }
0x12: {  	s1 =	sld [smem:$0x3F9B];
	s0 =	simm.s32 @p0 $0x1  }
0x13: {  	[smem:$0x3FB6] =	sst s0;
	s0 =	simm.s32 @!p1 $0x0  }
0x14: {  	s2 =	sld [smem:$0x3F9A];
	s0 =	simm.s32 @p1 $0x1  }
0x15: {  	[smem:$0x3FB7] =	sst s0;
	s0 =	simm.s32 @!p2 $0x0  }
0x16: {  	s3 =	sld [smem:$0x3FDB];
	s0 =	simm.s32 @p2 $0x1  }
0x17: {  	s4 =	simm.s32 $0x1BF5;
	[smem:$0x3FB9] =	sst s0  }
0x18: {  	s0 =	sld [smem:$0x3F9C];
	_ =	swait.ge [sflag:s4], $0x0  }
0x19: {  	s7 =	sld [smem:$0x3F9D]  }
0x1a: {  	s8 =	sadd.s32 $0xFFFFE003, lr  }
0x1b: {  	s9 =	sadd.s32 $0xFFFFFEF7, lr;
	s5 =	simm.s32 $0xFFFFFFFF;
	p2 =	slt.u32 s8, $0xFFFFF086  }
0x1c: {  	p1 =	slt.u32 s9, $0xF7A;
	s5 =	simm.s32 @!p2 $0x0  }
0x1d: {  	s5 =	simm.s32 @p1 $0x1;
	p0 =	seq.s32 s7, s2  }
0x1e: {  	s7 =	smul.u32 @!p0 $0xF7A, s2;
	p2 =	seq.s32 @!p0 s5, $0x0  }
0x1f: {  	s9 =	smul.u32 $0xF7A, s1;
	s8 =	simm.s32 @!p0 $0x1BF5;
	p2 =	por !p2, p0  }
0x20: {  	[sflag:s8] =	ssyncset.s32 @!p0 $0xFFFFF086;
	s6 =	sadd.s32 @!p0 s3, s7;
	s7 =	simm.s32 @!p0 $0x108  }
0x21: {  	s3 =	sadd.s32 s3, s9;
	s6 =	sadd.s32 @!p0 $0x88, s6;
	s7 =	simm.s32 @p2 $0x1082  }
0x22: {  	[simem:s7], [sflag:s8] =	dma.local @!p0 [hbm:s6], $0xF7A  }
0x23: {  	s9 =	sor.u32 $0xD0000000, s2;
	s6 =	simm.s32 $0x108;
	_ =	swait.ge @!p0 [sflag:s8], $0x0  }
0x24: {  	s3 =	sadd.s32 $0x88, s3;
	s6 =	simm.s32 @!p1 $0x1082;
	[sflag:s4] =	ssyncset.s32 $0xFFFFF086  }
0x25: {  	[simem:s6], [sflag:s4] =	dma.local [hbm:s3], $0xF7A  }
0x26: {  	[smem:$0x3F9D] =	sst s1;
	(tag) =	ssettag s2;
	_ =	strace s9  }
0x27: {  	s1 =	sld [smem:$0x3FAD]  }
0x28: {  	s2 =	sld [smem:$0x3FAE]  }
0x29: {  	s4 =	sld [smem:$0x3FB0]  }
0x2a: {  	p0 =	seq.s32 s5, $0x0;
	s5 =	sld [smem:$0x3FB1]  }
0x2b: {  	s6 =	sld [smem:$0x3FB2]  }
0x2c: {  	s7 =	sld [smem:$0x3FB3]  }
0x2d: {  	s3 =	simm.s32 $0x108;
	s8 =	sld [smem:$0x3FB4]  }
0x2e: {  	s3 =	simm.s32 @!p0 $0x1082;
	s9 =	sld [smem:$0x3FB5]  }
0x2f: {  	lr =	sadd.s32 s0, s3;
	s0 =	sld [smem:$0x3FAC]  }
0x30: {  	s3 =	sld [smem:$0x3FAF]  }
0x31: {  	[smem:$0x3FB8] =	sst s10  }
0x32: {  	s10 =	sld [smem:$0x3FB6];
	_ =	sdelay $0x3  }
0x33: {  	p0 =	seq.s32 s10, $0x1;
	s10 =	sld [smem:$0x3FB8];
	_ =	sdelay $0x3  }
0x34: {  	[smem:$0x3FB8] =	sst s10  }
0x35: {  	s10 =	sld [smem:$0x3FB7];
	_ =	sdelay $0x3  }
0x36: {  	p1 =	seq.s32 s10, $0x1;
	s10 =	sld [smem:$0x3FB8];
	_ =	sdelay $0x3  }
0x37: {  	[smem:$0x3FB8] =	sst s10  }
0x38: {  	s10 =	sld [smem:$0x3FB9]  }
0x39: {  	_ = 	snop;
	(pc) =	sbr.ind lr, $3  }
0x3a: {  	_ = 	snop  }
0x3b: {  	_ = 	snop  }
0x3c: {  	p2 =	seq.s32 s10, $0x1;
	s10 =	sld [smem:$0x3FB8]  }
0x3d: {  	_ =	shalt  }
0x3e: {  	_ =	shalt  }
0x3f: {  	_ =	shalt  }
0x40: {  	_ =	shalt  }
0x41: {  	_ =	shalt  }
0x42: {  	_ =	shalt  }
0x43: {  	_ =	shalt  }
0x44: {  	_ =	shalt  }
0x45: {  	_ =	shalt  }
0x46: {  	_ =	shalt  }
0x47: {  	_ =	shalt  }
0x48: {  	_ =	shalt  }
0x49: {  	_ =	shalt  }
0x4a: {  	_ =	shalt  }
0x4b: {  	_ =	shalt  }
0x4c: {  	_ =	shalt  }
0x4d: {  	_ =	shalt  }
0x4e: {  	_ =	shalt  }
0x4f: {  	_ =	shalt  }
0x50: {  	_ =	shalt  }
0x51: {  	_ =	shalt  }
0x52: {  	_ =	shalt  }
0x53: {  	_ =	shalt  }
0x54: {  	_ =	shalt  }
0x55: {  	_ =	shalt  }
0x56: {  	_ =	shalt  }
0x57: {  	_ =	shalt  }
0x58: {  	_ =	shalt  }
0x59: {  	_ =	shalt  }
0x5a: {  	_ =	shalt  }
0x5b: {  	_ =	shalt  }
0x5c: {  	_ =	shalt  }
0x5d: {  	_ =	shalt  }
0x5e: {  	_ =	shalt  }
0x5f: {  	_ =	shalt  }
0x60: {  	_ =	shalt  }
0x61: {  	_ =	shalt  }
0x62: {  	_ =	shalt  }
0x63: {  	_ =	shalt  }
0x64: {  	_ =	shalt  }
0x65: {  	_ =	shalt  }
0x66: {  	_ =	shalt  }
0x67: {  	_ =	shalt  }
0x68: {  	_ =	shalt  }
0x69: {  	_ =	shalt  }
0x6a: {  	_ =	shalt  }
0x6b: {  	_ =	shalt  }
0x6c: {  	_ =	shalt  }
0x6d: {  	_ =	shalt  }
0x6e: {  	_ =	shalt  }
0x6f: {  	_ =	shalt  }
0x70: {  	_ =	shalt  }
0x71: {  	_ =	shalt  }
0x72: {  	_ =	shalt  }
0x73: {  	_ =	shalt  }
0x74: {  	_ =	shalt  }
0x75: {  	_ =	shalt  }
0x76: {  	_ =	shalt  }
0x77: {  	_ =	shalt  }
0x78: {  	_ =	shalt  }
0x79: {  	_ =	shalt  }
0x7a: {  	_ =	shalt  }
0x7b: {  	_ =	shalt  }
0x7c: {  	_ =	shalt  }
0x7d: {  	_ =	shalt  }
0x7e: {  	_ =	shalt  }
0x7f: {  	_ =	shalt  }
0x80: {  	_ =	shalt  }
0x81: {  	_ =	shalt  }
0x82: {  	_ =	shalt  }
0x83: {  	_ =	shalt  }
0x84: {  	_ =	shalt  }
0x85: {  	_ =	shalt  }
0x86: {  	_ =	shalt  }
0x87: {  	_ =	shalt  }
.Lfunc_end0:
.L_simem_size_0:
called_computation_lowered:
.L_overlay_start_0:
0x88: {  	s2 =	sld [smem:$0x3FD9]  }
0x89: {  	s3 =	sld [smem:$0x3FFE];
	_ =	sdelay $0x1  }
0x8a: {  	s1 =	srdreg.scid  }
0x8b: {  	s0 =	sand.u32 $0x1, s1  }
0x8c: {  	s16 =	sshll.u32 s0, $0xA;
	s2 =	sadd.s32 s3, s2  }
0x8d: {  	s2 =	sadd.s32 s2, s16  }
0x8e: {  	[smem:$0x3FC4] =	sst s2  }
0x8f: {  	_ = 	snop  }
0x90: {  	(tm) =	ssettm $0x1  }
0x91: {  	s17 =	sld [smem:$0x3FFB];
	_ =	sdelay $0x3  }
0x92: {  	_ =	strace s17  }
0x93: {  	s2 =	sld [smem:$0x3FFC];
	_ =	sdelay $0x3  }
0x94: {  	_ =	strace s2  }
0x95: {  	s2 =	sld [smem:$0x3FFD];
	_ =	sdelay $0x3  }
0x96: {  	_ =	strace s2  }
0x97: {  	_ =	strace $0x8FFFFFFF  }
0x98: {  	s18 =	sld [smem:$0x3FDB];
	_ =	sdelay $0x1  }
0x99: {  	s19 =	simm.s32 $_scs_section_size  }
0x9a: {  	s4 =	simm.s32 $_size__tile_overlayer_lowered;
	s5 =	simm.s32 $_tile_overlayer_lowered  }
0x9b: {  	s22 =	simm.s32 $0x1BFF;
	s21 =	sshll.u32 s5, $0x1;
	s2 =	sadd.s32 s19, s18  }
0x9c: {  	s6 =	simm.s32 $0x0;
	s20 =	sshll.u32 s4, $0x1;
	s4 =	sadd.s32 s21, s2  }
0x9d: {  	[timem:s6], [sflag:s22] =	dma.local [hbm:s4], s20  }
0x9e: {  	_ =	swait.ge [sflag:s22], s20  }
0x9f: {  	s3 =	ssub.s32 $0x0, s20;
	[sflag:s22] =	ssyncset.done $0x0  }
0xa0: {  	[sflag:s22] =	ssyncadd.s32 s3;
	_ =	sdelay $0x1  }
0xa1: {  	s23 =	simm.s32 $0x1B8B  }
0xa2: {  	_ =	swait.ge [sflag:s23], $0x1  }
0xa3: {  	[sflag:s23] =	ssyncset.done $0x0  }
0xa4: {  	s25 =	simm.s32 $0x1B8E;
	s24 =	sld [smem:$0x3FFE];
	[sflag:s23] =	ssyncadd.s32 $0xFFFFFFFF  }
0xa5: {  	s26 =	simm.s32 $execute0_lowered;
	[smem:$0x3FD2] =	sst s25  }
0xa6: {  	s4 =	sshll.u32 s26, $0x1;
	_ =	strace $0x80000046;
	[dreg:$0x1] =	wrdreg $0xFFFFFFFF  }
0xa7: {  	s28 =	simm.s32 $_size_execute0_lowered;
	s2 =	sadd.s32 s2, s4;
	[dreg:$0x0] =	wrdreg $0x0  }
0xa8: {  	s4 =	sshll.u32 s28, $0x1;
	[dreg:$0x2] =	wrdreg s2  }
0xa9: {  	[dreg:$0x3] =	wrdreg s4  }
0xaa: {  	[dreg:$0x4] =	wrdreg $0xC0  }
0xab: {  	_ =	task [dreg:s6], $0x5FFFF  }
0xac: {  	[dreg:$0x1] =	wrdreg $0xFFFFFFFF  }
0xad: {  	[dreg:$0x0] =	wrdreg $0x60  }
0xae: {  	[dreg:$0x2] =	wrdreg s24  }
0xaf: {  	[dreg:$0x3] =	wrdreg $0x9  }
0xb0: {  	_ =	task.clear_ibuf [dreg:s6], $0x4FFFF;
	_ =	strace $0x90000046  }
0xb1: {  	s29 =	simm.s32 $0x9;
	_ =	strace $0x80000048  }
0xb2: {  	_ =	swait.ge [sflag:s29], $0x1  }
0xb3: {  	[sflag:s29] =	ssyncadd.s32 $0xFFFFFFFF  }
0xb4: {  	_ =	strace $0x90000048  }
0xb5: {  	_ =	sfence  }
0xb6: {  	s30 =	sld [smem:$0x0];
	_ =	sdelay $0x2  }
0xb7: {  	s31 =	sshll.u32 s1, $0xD;
	s1 =	sshrl.u32 s1, $0x2  }
0xb8: {  	s3 =	sand.u32 $0x4000, s31;
	s1 =	sadd.s32 s1, s30  }
0xb9: {  	s0 =	sor.u32 s3, s0;
	s1 =	sshll.u32 s1, $0x11  }
0xba: {  	s0 =	sor.u32 s1, s0  }
0xbb: {  	s0 =	sadd.s32 $0x8F2B, s0  }
0xbc: {  	[sflag:s0] =	ssyncadd.remote.s32 $0x1  }
0xbd: {  	_ =	sfence.sel $0xFFFF  }
0xbe: {  	[dreg:$0x0] =	wrdreg $0xFFFFFFFF;
	(pc) =	sbr.abs _section_cstart, $3  }
0xbf: {  	[dreg:$0x1] =	wrdreg $0xFFFFFFFF  }
0xc0: {  	_ =	task.clear_ibuf [dreg:s6], $0x2FFFF;
	_ =	strace $0x9FFFFFFF  }
0xc1: {  	(tm) =	ssettm $0x7FFFFFFF  }
tec
execute0_lowered:
.L_overlay_start_1:
0x0: {  	(tag) =	ssettag $0x1  }
0x1: {  	s1 =	srdreg.scid  }
0x2: {  	s0 =	stileid.u32;
	s3 =	rddreg [dreg:$0x0];
	s2 =	simm.s32 $0x0  }
0x3: {  	s11 =	simm.s32 $0x1;
	s12 =	simm.s32 $0x2;
	s13 =	simm.s32 $0x0  }
0x4: {  	s4 =	sand.u32 $0x1, s1;
	s5 =	sshll.u32 s0, $0x1;
	s1 =	rddreg [dreg:$0x1]  }
0x5: {  	[smem:$0x7FF] =	sst s2;
	s9 =	smul.u32 $0xC0000, s0;
	s5 =	sor.u32 s4, s5  }
0x6: {  	s10 =	sadd.s32 $0x3800, s3;
	s7 =	ssub.s32 $0x2, s4;
	s6 =	smul.u32 $0x180, s5  }
0x7: {  	_ =	strace $0x80000047;
	s5 =	smul.u32 $0x60000, s5;
	s8 =	sshrl.u32 s7, $0x1  }
0x8: {  	s31 =	smul.u32 $0x60000, s4;
	s9 =	sadd.s32 s9, s10;
	s7 =	ssub.s32 s7, s8  }
0x9: {  	s8 =	simm.s32 $0x3;
	s6 =	sadd.s32 s6, s3;
	s4 =	sadd.s32 s10, s5  }
0xa: {  	s5 =	smax.u32 s7, $0x1;
	s7 =	sadd.s32 s31, s9;
	s9 =	simm.s32 $0xC00  }
0xb: {  	s10 =	simm.s32 $0x6C00;
	s3 =	sadd.s32 $0x800, s6;
	s6 =	sadd.s32 $0xC00, s4  }
.LBB2_1:
0xc: {  	[tilespmem:s2], [sflag:$0x3] =	stream.linear.gather [hbm4b:s3+s2], $0xC00, $0x38;
	[tilespmem:$0xCC00] =	vst v63  }
0xd: {  	_ =	swait.ge [sflag:s8], $0xC00  }
0xe: {  	[sflag:s8] =	ssyncset.done $0x0  }
0xf: {  	[sflag:s8] =	ssyncadd.s32 $0xFFFFF400  }
0x10: {  	[hbm4b:s4+s2] =	stream.linear.scatter [tilespmem:s9], [sflag:$0x1], $0x6000, $0x38;
	[tilespmem:$0xCC00] =	vst v63  }
0x11: {  	_ = 	snop  }
0x12: {  	[hbm4b:s6+s2] =	stream.linear.scatter [tilespmem:s10], [sflag:$0x2], $0x6000, $0x38;
	[tilespmem:$0xCC00] =	vst v63  }
0x13: {  	_ =	swait.ge [sflag:s11], $0x6000  }
0x14: {  	s14 =	sadd.s32 $0xFFFA1800, s7;
	[sflag:s11] =	ssyncset.done $0x0  }
0x15: {  	s15 =	sadd.s32 $0x60000, s14;
	[sflag:s11] =	ssyncadd.s32 $0xFFFFA000  }
0x16: {  	[hbm4b:s15+s2] =	stream.linear.scatter [tilespmem:s9], [sflag:$0x1], $0x6000, $0x38;
	[tilespmem:$0xCC00] =	vst v63  }
0x17: {  	_ =	swait.ge [sflag:s12], $0x6000  }
0x18: {  	[sflag:s12] =	ssyncset.done $0x0  }
0x19: {  	s14 =	sadd.s32 $0x60C00, s14;
	[sflag:s12] =	ssyncadd.s32 $0xFFFFA000  }
0x1a: {  	[hbm4b:s14+s2] =	stream.linear.scatter [tilespmem:s10], [sflag:$0x2], $0x6000, $0x38;
	[tilespmem:$0xCC00] =	vst v63  }
0x1b: {  	_ =	swait.ge [sflag:s11], $0x6000  }
0x1c: {  	s15 =	simm.s32 $0xFFFA4800;
	s14 =	sadd.s32 $0xFFFA3000, s7;
	[sflag:s11] =	ssyncset.done $0x0  }
.LBB2_2:
0x1d: {  	s16 =	sadd.s32 $0x60000, s14  }
0x1e: {  	[sflag:s11] =	ssyncadd.s32 $0xFFFFA000;
	s17 =	smov.u32 s15;
	s18 =	sadd.s32 $0x1800, s15  }
0x1f: {  	[hbm4b:s16+s2] =	stream.linear.scatter [tilespmem:s9], [sflag:$0x1], $0x6000, $0x38;
	[tilespmem:$0xCC00] =	vst v63  }
0x20: {  	p0 =	sne.s32 s15, $0xFFFFE800;
	_ =	swait.ge [sflag:s12], $0x6000  }
.Ltmp0:
0x21: {  	[sflag:s12] =	ssyncset.done $0x0;
	(pc) =	sbr.rel @p0 .LBB2_2-.Ltmp0, $4  }
0x22: {  	s14 =	sadd.s32 $0x60C00, s14;
	[sflag:s12] =	ssyncadd.s32 $0xFFFFA000  }
0x23: {  	[hbm4b:s14+s2] =	stream.linear.scatter [tilespmem:s10], [sflag:$0x2], $0x6000, $0x38;
	[tilespmem:$0xCC00] =	vst v63  }
0x24: {  	_ =	swait.ge [sflag:s11], $0x6000  }
0x25: {  	s15 =	smov.u32 s18;
	s14 =	sadd.s32 s17, s7;
	[sflag:s11] =	ssyncset.done $0x0  }
0x26: {  	s15 =	sadd.s32 $0x60000, s14;
	[sflag:s11] =	ssyncadd.s32 $0xFFFFA000  }
0x27: {  	[hbm4b:s15+s2] =	stream.linear.scatter [tilespmem:s9], [sflag:$0x1], $0x6000, $0x38;
	[tilespmem:$0xCC00] =	vst v63  }
0x28: {  	_ =	swait.ge [sflag:s12], $0x6000  }
0x29: {  	[sflag:s12] =	ssyncset.done $0x0  }
0x2a: {  	s31 =	sadd.s32 $0x60C00, s14;
	s13 =	sadd.s32 $0x1, s13;
	[sflag:s12] =	ssyncadd.s32 $0xFFFFA000  }
0x2b: {  	[hbm4b:s31+s2] =	stream.linear.scatter [tilespmem:s10], [sflag:$0x2], $0x6000, $0x38;
	[tilespmem:$0xCC00] =	vst v63  }
0x2c: {  	p0 =	sne.s32 s13, s5;
	_ =	swait.ge [sflag:s11], $0x6000  }
.Ltmp1:
0x2d: {  	[sflag:s11] =	ssyncset.done $0x0;
	(pc) =	sbr.rel @p0 .LBB2_1-.Ltmp1, $4  }
0x2e: {  	[sflag:s11] =	ssyncadd.s32 $0xFFFFA000  }
0x2f: {  	_ =	swait.ge [sflag:s12], $0x6000  }
0x30: {  	[sflag:s12] =	ssyncset.done $0x0  }
0x31: {  	[sflag:s12] =	ssyncadd.s32 $0xFFFFA000  }
0x32: {  	_ =	sfence.sel $0x180000  }
0x33: {  	[bflag:$0x0] =	sbarrier.arrive $0xFFFF  }
0x34: {  	p0 =	sne.s32 s0, $0x0;
	_ =	strace $0x90000047  }
0x35: {  	s0 =	sadd.s32 @!p0 $0x100000, s1;
	[bflag:$0x2] =	sbarrier.arrive $0xFFFF  }
0x36: {  	[sflag:s0] =	ssyncadd.tile.s32 @!p0 $0x1;
	_ =	shalt  }
.Lfunc_end2:
_tile_overlayer_lowered:
.L_overlay_start_2:
0x37: {  	(tag) =	ssettag $0x2  }
0x38: {  	s0 =	rddreg [dreg:$0x0];
	s2 =	stileid.u32  }
0x39: {  	s1 =	rddreg [dreg:$0x1];
	p0 =	sne.s32 s2, $0x0  }
0x3a: {  	s3 =	rddreg [dreg:$0x2];
	[bflag:$0x3] =	sbarrier.arrive $0xFFFF;
	s2 =	simm.s32 @!p0 $0x1C03  }
0x3b: {  	[timem:s3], [sflag:s2] =	dma.local @!p0 [hbm:s0], s1  }
0x3c: {  	s0 =	simm.s32 @!p0 $0x3  }
0x3d: {  	_ =	swait.ge @!p0 [sflag:s0], s1  }
0x3e: {  	s1 =	ssub.s32 @!p0 $0x0, s1;
	[sflag:s0] =	ssyncset.done @!p0 $0x0  }
0x3f: {  	[sflag:s0] =	ssyncadd.s32 @!p0 s1  }
0x40: {  	[bflag:$0x3] =	sbarrier.arrive $0xFFFF  }
0x41: {  	_ =	shalt  }

</sc_bundles>
